<compile_context>
chip_gen: v7x
topology: tpu7x:2x2x1
jax: 0.10.2.dev20260603
libtpu: 0.0.44.dev20260713+nightly
codegen_flags: <defaults>
</compile_context>

<pallas_src>
import functools

import jax
import jax.numpy as jnp
from jax import lax
from jax.experimental import pallas as pl
from jax.experimental.pallas import tpu as pltpu
from jax.experimental.pallas import tpu_sc as plsc

_NHARM = 30
_HID = 64
_GRES = 32
_VOL = 3.0
_VOX = 2.0 * _VOL / _GRES
_R = 4096
_P = 64
_NPT = _R * _P

_NW = 32
_PPW = _NPT // _NW
_NVEC = _PPW // 16


def _sc_mask_body(pt3_hbm, grid_hbm, out_hbm, pt_v, grid_v, out_v):
    wid = lax.axis_index("s") * 2 + lax.axis_index("c")
    base = wid * _PPW
    pltpu.sync_copy(pt3_hbm.at[:, pl.ds(base, _PPW)], pt_v)
    pltpu.sync_copy(grid_hbm, grid_v)

    def step(k, carry):
        lin = None
        for c, mulc in ((0, _GRES * _GRES), (1, _GRES), (2, 1)):
            v = ((pt_v[c, pl.ds(k * 16, 16)] + _VOL) / _VOX).astype(jnp.int32)
            v = jnp.minimum(jnp.maximum(v, 0), _GRES - 1)
            lin = v * mulc if lin is None else lin + v * mulc
        out_v[pl.ds(k * 16, 16)] = plsc.load_gather(grid_v, [lin])
        return carry

    lax.fori_loop(0, _NVEC, step, 0)
    pltpu.sync_copy(out_v, out_hbm.at[pl.ds(base, _PPW)])


@functools.cache
def _make_sc_mask():
    return functools.partial(
        pl.kernel,
        mesh=plsc.VectorSubcoreMesh(core_axis_name="c", subcore_axis_name="s"),
        out_type=jax.ShapeDtypeStruct((_NPT,), jnp.float32),
        compiler_params=pltpu.CompilerParams(needs_layout_passes=False),
        scratch_types=[
            pltpu.VMEM((3, _PPW), jnp.float32),
            pltpu.VMEM((_GRES ** 3,), jnp.float32),
            pltpu.VMEM((_PPW,), jnp.float32),
        ],
    )(_sc_mask_body)


_B = 64


def _sp10(x):
    z = 10.0 * x
    return (jnp.maximum(z, 0.0) + jnp.log1p(jnp.exp(-jnp.abs(z)))) * 0.1


def _tc_body(p0_ref, p1_ref, p2_ref, dn_ref, m_ref, fr_ref,
             w1s_ref, w1c_ref, b1_ref, w2_ref, b2_ref,
             wc1h_ref, wc1ds_ref, wc1dc_ref, bc1_ref,
             wc2_ref, bc2_ref, wd_ref, bd_ref,
             dens_ref, col_ref):
    n = _B * _P
    f90 = fr_ref[...]

    pts = (p0_ref[...], p1_ref[...], p2_ref[...])
    lane3 = lax.broadcasted_iota(jnp.int32, (_B, _P, 3 * _NHARM), 2)
    psel = jnp.where(lane3 < _NHARM, pts[0][:, :, None],
                     jnp.where(lane3 < 2 * _NHARM, pts[1][:, :, None],
                               pts[2][:, :, None]))
    ang = (psel * f90[0][None, None, :]).reshape(n, 3 * _NHARM)

    h = _sp10(jnp.dot(jnp.sin(ang), w1s_ref[...],
                      preferred_element_type=jnp.float32)
              + jnp.dot(jnp.cos(ang), w1c_ref[...],
                        preferred_element_type=jnp.float32)
              + b1_ref[...])
    h = _sp10(jnp.dot(h, w2_ref[...], preferred_element_type=jnp.float32)
              + b2_ref[...])

    h3 = h.reshape(_B, _P, _HID)
    rd = jnp.sum(h3 * wd_ref[...][0][None, None, :], axis=-1) + bd_ref[0, 0]
    dens = 1.0 - jnp.exp(-_sp10(rd))

    dn = dn_ref[...]
    dl = lax.broadcasted_iota(jnp.int32, (_B, 3 * _NHARM), 1)
    dsel = jnp.where(dl < _NHARM, dn[:, 0:1],
                     jnp.where(dl < 2 * _NHARM, dn[:, 1:2], dn[:, 2:3]))
    dang = dsel * f90
    dproj = (jnp.dot(jnp.sin(dang), wc1ds_ref[...],
                     preferred_element_type=jnp.float32)
             + jnp.dot(jnp.cos(dang), wc1dc_ref[...],
                       preferred_element_type=jnp.float32)
             + bc1_ref[...])

    c1 = jnp.dot(h, wc1h_ref[...], preferred_element_type=jnp.float32)
    c1 = _sp10(c1.reshape(_B, _P, _HID) + dproj[:, None, :]).reshape(n, _HID)
    cpre = jnp.dot(c1, wc2_ref[...], preferred_element_type=jnp.float32) \
        + bc2_ref[...]
    col = 1.0 / (1.0 + jnp.exp(-cpre))

    m2 = m_ref[...]
    dens_ref[...] = dens * m2
    col_ref[...] = col.reshape(_B, _P, 3) * m2[:, :, None]


def _const_spec(shape):
    return pl.BlockSpec(shape, lambda i: tuple(0 for _ in shape))


_TC_IN_SPECS = [
    pl.BlockSpec((_B, _P), lambda i: (i, 0)),
    pl.BlockSpec((_B, _P), lambda i: (i, 0)),
    pl.BlockSpec((_B, _P), lambda i: (i, 0)),
    pl.BlockSpec((_B, 3), lambda i: (i, 0)),
    pl.BlockSpec((_B, _P), lambda i: (i, 0)),
    _const_spec((1, 3 * _NHARM)),
    _const_spec((3 * _NHARM, _HID)),
    _const_spec((3 * _NHARM, _HID)),
    _const_spec((1, _HID)),
    _const_spec((_HID, _HID)),
    _const_spec((1, _HID)),
    _const_spec((_HID, _HID)),
    _const_spec((3 * _NHARM, _HID)),
    _const_spec((3 * _NHARM, _HID)),
    _const_spec((1, _HID)),
    _const_spec((_HID, 3)),
    _const_spec((1, 3)),
    _const_spec((1, _HID)),
    _const_spec((1, 1)),
]

_TC_OUT_SPECS = [
    pl.BlockSpec((_B, _P), lambda i: (i, 0)),
    pl.BlockSpec((_B, _P, 3), lambda i: (i, 0, 0)),
]

_TC_OUT_SHAPE = [
    jax.ShapeDtypeStruct((_R, _P), jnp.float32),
    jax.ShapeDtypeStruct((_R, _P, 3), jnp.float32),
]


def _tc_call(*args):
    return pl.pallas_call(
        _tc_body,
        grid=(_R // _B,),
        in_specs=_TC_IN_SPECS,
        out_specs=_TC_OUT_SPECS,
        out_shape=_TC_OUT_SHAPE,
    )(*args)


def kernel(origins, directions, lengths, grid, frequencies,
           W1, b1, W2, b2, Wc1, bc1, Wc2, bc2, Wd, bd):
    pts = origins[:, None, :] + directions[:, None, :] * lengths[..., None]
    dn = directions / jnp.maximum(
        jnp.linalg.norm(directions, axis=-1, keepdims=True), 1e-12)
    gridf = grid.reshape(-1).astype(jnp.float32)

    pt3 = pts.reshape(_NPT, 3).T
    mask2d = _make_sc_mask()(pt3, gridf).reshape(_R, _P)

    f90 = jnp.tile(frequencies, 3).reshape(1, 3 * _NHARM)
    dens2d, colors = _tc_call(
        pts[..., 0], pts[..., 1], pts[..., 2], dn, mask2d, f90,
        W1[:3 * _NHARM], W1[3 * _NHARM:], b1.reshape(1, _HID),
        W2, b2.reshape(1, _HID),
        Wc1[:_HID], Wc1[_HID:_HID + 3 * _NHARM], Wc1[_HID + 3 * _NHARM:],
        bc1.reshape(1, _HID),
        Wc2, bc2.reshape(1, 3),
        Wd.reshape(1, _HID), bd.reshape(1, 1))
    return dens2d.reshape(_R, _P, 1), colors

# --- scband reference (transcript-rebuilt; emitter-appended) ---
"""Pipeline reference for scband-neural-radiance-field-9947144257728 (READ-ONLY COPY).

The authoritative reference and input builder live on the scoring server;
editing this copy changes nothing except your own understanding.
"""

import jax, jax.numpy as jnp
import numpy as np

N_HARM = 30
OMEGA0 = 0.1
HID = 64
GRID_RES = 32
VOL_EXT = 3.0
N_RAYS = 4096
N_PTS = 64
EMB = N_HARM * 2 * 3  # 180


def harmonic(x, freqs):
    embed = (x[..., None] * freqs).reshape(*x.shape[:-1], -1)
    return jnp.concatenate([jnp.sin(embed), jnp.cos(embed)], axis=-1)


def softplus10(x):
    # torch.nn.Softplus(beta=10.0)
    return jax.nn.softplus(10.0 * x) / 10.0


def setup_inputs(seed: int = 0):
    key = jax.random.key(seed)
    ks = jax.random.split(key, 16)
    origins = jax.random.normal(ks[0], (N_RAYS, 3), dtype=jnp.float32)
    directions = jax.random.normal(ks[1], (N_RAYS, 3), dtype=jnp.float32)
    lengths = jax.random.uniform(ks[2], (N_RAYS, N_PTS), dtype=jnp.float32)
    grid = jax.random.bernoulli(ks[3], 0.6, (GRID_RES, GRID_RES, GRID_RES))
    frequencies = (OMEGA0 * 2.0 ** jnp.arange(N_HARM)).astype(jnp.float32)
    W1 = jax.random.normal(ks[4], (EMB, HID), dtype=jnp.float32) * 0.05
    b1 = jnp.zeros((HID,), dtype=jnp.float32)
    W2 = jax.random.normal(ks[5], (HID, HID), dtype=jnp.float32) * 0.1
    b2 = jnp.zeros((HID,), dtype=jnp.float32)
    Wc1 = jax.random.normal(ks[6], (HID + EMB, HID), dtype=jnp.float32) * 0.05
    bc1 = jnp.zeros((HID,), dtype=jnp.float32)
    Wc2 = jax.random.normal(ks[7], (HID, 3), dtype=jnp.float32) * 0.1
    bc2 = jnp.zeros((3,), dtype=jnp.float32)
    Wd = jax.random.normal(ks[8], (HID, 1), dtype=jnp.float32) * 0.1
    bd = jnp.zeros((1,), dtype=jnp.float32).at[0].set(-1.5)
    return {
        'origins': origins, 'directions': directions, 'lengths': lengths,
        'grid': grid, 'frequencies': frequencies,
        'W1': W1, 'b1': b1, 'W2': W2, 'b2': b2,
        'Wc1': Wc1, 'bc1': bc1, 'Wc2': Wc2, 'bc2': bc2,
        'Wd': Wd, 'bd': bd,
    }


def reference(origins, directions, lengths, grid, frequencies,
              W1, b1, W2, b2, Wc1, bc1, Wc2, bc2, Wd, bd):
    # ray_bundle_to_ray_points
    points = origins[:, None, :] + directions[:, None, :] * lengths[..., None]  # [R,P,3]
    # occupancy grid lookup (gather)
    voxel_size = 2.0 * VOL_EXT / GRID_RES
    vidx = jnp.clip(((points + VOL_EXT) / voxel_size).astype(jnp.int32), 0, GRID_RES - 1)
    mask = grid[vidx[..., 0], vidx[..., 1], vidx[..., 2]]  # [R,P] bool
    # harmonic embedding of points
    embeds = harmonic(points, frequencies)  # [R,P,360]
    h = softplus10(embeds @ W1 + b1)
    h = softplus10(h @ W2 + b2)  # [R,P,64]
    # densities
    raw_d = softplus10(h @ Wd + bd)
    dens = 1.0 - jnp.exp(-raw_d)  # [R,P,1]
    # colors: embed normalized directions, broadcast over samples
    dn = directions / jnp.maximum(jnp.linalg.norm(directions, axis=-1, keepdims=True), 1e-12)
    demb = harmonic(dn, frequencies)  # [R,360]
    demb_e = jnp.broadcast_to(demb[:, None, :], (points.shape[0], points.shape[1], demb.shape[-1]))
    ci = jnp.concatenate([h, demb_e], axis=-1)  # [R,P,64+360]? no: EMB features per sin+cos -> 360
    c = softplus10(ci @ jnp.concatenate([Wc1, jnp.zeros((ci.shape[-1] - Wc1.shape[0], Wc1.shape[1]), Wc1.dtype)], axis=0)[:ci.shape[-1]] + bc1) if False else softplus10(jnp.einsum('rpf,fh->rph', ci[..., :Wc1.shape[0]], Wc1) + bc1)
    c = jax.nn.sigmoid(c @ Wc2 + bc2)  # [R,P,3]
    dens = jnp.where(mask[..., None], dens, 0.0)
    colors = jnp.where(mask[..., None], c, 0.0)
    return (dens, colors)

if __name__ == "__main__":
    import jax
    _d = setup_inputs()
    print(jax.jit(kernel)(*tuple(_d.values())))

</pallas_src>

<mosaic_0001>
#map = affine_map<(d0, d1) -> (0, 0)>
#map1 = affine_map<(d0, d1) -> (0)>
module attributes {stable_mosaic.version = 14 : i64} {
  func.func @_sc_mask_body(%arg0: i32, %arg1: i32, %arg2: memref<3x262144xf32, #tpu.memory_space<hbm>>, %arg3: memref<32768xf32, #tpu.memory_space<hbm>>, %arg4: memref<262144xf32, #tpu.memory_space<hbm>>, %arg5: memref<3x8192xf32, #tpu.memory_space<vmem>>, %arg6: memref<32768xf32, #tpu.memory_space<vmem>>, %arg7: memref<8192xf32, #tpu.memory_space<vmem>>) attributes {dimension_semantics = [#tpu.dimension_semantics<core_parallel>, #tpu.dimension_semantics<subcore_parallel>], iteration_bounds = array<i64: 2, 16>, scalar_prefetch = 0 : i64, scratch_operands = 3 : i64, tpu.core_type = #tpu.core_type<sc_vector_subcore>, window_params = [{transform_indices = #map}, {transform_indices = #map1}, {transform_indices = #map1}]} {
    %mul3A = arith.constant 2 : i32
    %mul3A_0 = arith.muli %arg1, %mul3A : i32
    %add3A = arith.addi %mul3A_0, %arg0 : i32
    %mul3A_1 = arith.constant 8192 : i32
    %mul3A_2 = arith.muli %add3A, %mul3A_1 : i32
    "tpu.region"() ({
      %run_scoped3A = tpu.sem_alloc : memref<!tpu.dma_semaphore, #tpu.memory_space<semaphore_mem>>
      %dma_start3A = arith.constant 0 : i32
      %dma_start3A_8 = tpu.memref_slice %arg2[%dma_start3A, %mul3A_2] : memref<3x262144xf32, #tpu.memory_space<hbm>> -> memref<3x8192xf32, #tpu.memory_space<hbm>>
      %dma_start3A_9 = arith.constant 0 : i32
      %dma_start3A_10 = tpu.memref_slice %arg2[%dma_start3A_9, %mul3A_2] : memref<3x262144xf32, #tpu.memory_space<hbm>> -> memref<3x8192xf32, #tpu.memory_space<hbm>>
      tpu.enqueue_dma source(%dma_start3A_10 : memref<3x8192xf32, #tpu.memory_space<hbm>>) target(%arg5 : memref<3x8192xf32, #tpu.memory_space<vmem>>) target_semaphore(%run_scoped3A : memref<!tpu.dma_semaphore, #tpu.memory_space<semaphore_mem>>)
      %dma_wait3A = arith.constant 0 : i32
      %dma_wait3A_11 = tpu.memref_slice %arg2[%dma_wait3A, %mul3A_2] : memref<3x262144xf32, #tpu.memory_space<hbm>> -> memref<3x8192xf32, #tpu.memory_space<hbm>>
      %dma_wait3A_12 = arith.constant 0 : i32
      %dma_wait3A_13 = tpu.memref_slice %arg2[%dma_wait3A_12, %mul3A_2] : memref<3x262144xf32, #tpu.memory_space<hbm>> -> memref<3x8192xf32, #tpu.memory_space<hbm>>
      tpu.wait_dma2 semaphore(%run_scoped3A : memref<!tpu.dma_semaphore, #tpu.memory_space<semaphore_mem>>) src(%dma_wait3A_13 : memref<3x8192xf32, #tpu.memory_space<hbm>>) dst(%arg5 : memref<3x8192xf32, #tpu.memory_space<vmem>>)
      tpu.yield
    }) : () -> ()
    "tpu.region"() ({
      %run_scoped3A = tpu.sem_alloc : memref<!tpu.dma_semaphore, #tpu.memory_space<semaphore_mem>>
      tpu.enqueue_dma source(%arg3 : memref<32768xf32, #tpu.memory_space<hbm>>) target(%arg6 : memref<32768xf32, #tpu.memory_space<vmem>>) target_semaphore(%run_scoped3A : memref<!tpu.dma_semaphore, #tpu.memory_space<semaphore_mem>>)
      tpu.wait_dma2 semaphore(%run_scoped3A : memref<!tpu.dma_semaphore, #tpu.memory_space<semaphore_mem>>) src(%arg3 : memref<32768xf32, #tpu.memory_space<hbm>>) dst(%arg6 : memref<32768xf32, #tpu.memory_space<vmem>>)
      tpu.yield
    }) : () -> ()
    %scan3A = arith.constant 0 : i32
    %scan3A_3 = arith.constant 0 : i32
    %scan3A_4 = arith.constant 512 : i32
    %scan3A_5 = arith.addi %scan3A_3, %scan3A_4 : i32
    %scan3A_6 = arith.constant 1 : i32
    scf.for %scan3A_8 = %scan3A_3 to %scan3A_5 step %scan3A_6  : i32 {
      %mul3A_9 = arith.constant 16 : i32
      %mul3A_10 = arith.muli %scan3A_8, %mul3A_9 : i32
      %get3A = arith.constant 0 : i32
      %get3A_11 = arith.index_cast %get3A : i32 to index
      %get3A_12 = arith.index_cast %mul3A_10 : i32 to index
      %get3A_13 = tpu.vector_load %arg5[%get3A_11, %get3A_12] {strides = array<i32>} : memref<3x8192xf32, #tpu.memory_space<vmem>>, vector<16xf32>,
      %add3A_14 = arith.constant 3.000000e+00 : f32
      %add3A_15 = vector.broadcast %add3A_14 : f32 to vector<16xf32>
      %add3A_16 = arith.addf %get3A_13, %add3A_15 : vector<16xf32>
      %div3A = arith.constant 1.875000e-01 : f32
      %div3A_17 = vector.broadcast %div3A : f32 to vector<16xf32>
      %div3A_18 = arith.divf %add3A_16, %div3A_17 : vector<16xf32>
      %convert_element_type3A = arith.fptosi %div3A_18 : vector<16xf32> to vector<16xi32>
      %max3A = arith.constant 0 : i32
      %max3A_19 = vector.broadcast %max3A : i32 to vector<16xi32>
      %max3A_20 = arith.maxsi %convert_element_type3A, %max3A_19 : vector<16xi32>
      %min3A = arith.constant 31 : i32
      %min3A_21 = vector.broadcast %min3A : i32 to vector<16xi32>
      %min3A_22 = arith.minsi %max3A_20, %min3A_21 : vector<16xi32>
      %mul3A_23 = arith.constant 1024 : i32
      %mul3A_24 = vector.broadcast %mul3A_23 : i32 to vector<16xi32>
      %mul3A_25 = arith.muli %min3A_22, %mul3A_24 : vector<16xi32>
      %mul3A_26 = arith.constant 16 : i32
      %mul3A_27 = arith.muli %scan3A_8, %mul3A_26 : i32
      %get3A_28 = arith.constant 1 : i32
      %get3A_29 = arith.index_cast %get3A_28 : i32 to index
      %get3A_30 = arith.index_cast %mul3A_27 : i32 to index
      %get3A_31 = tpu.vector_load %arg5[%get3A_29, %get3A_30] {strides = array<i32>} : memref<3x8192xf32, #tpu.memory_space<vmem>>, vector<16xf32>,
      %add3A_32 = arith.constant 3.000000e+00 : f32
      %add3A_33 = vector.broadcast %add3A_32 : f32 to vector<16xf32>
      %add3A_34 = arith.addf %get3A_31, %add3A_33 : vector<16xf32>
      %div3A_35 = arith.constant 1.875000e-01 : f32
      %div3A_36 = vector.broadcast %div3A_35 : f32 to vector<16xf32>
      %div3A_37 = arith.divf %add3A_34, %div3A_36 : vector<16xf32>
      %convert_element_type3A_38 = arith.fptosi %div3A_37 : vector<16xf32> to vector<16xi32>
      %max3A_39 = arith.constant 0 : i32
      %max3A_40 = vector.broadcast %max3A_39 : i32 to vector<16xi32>
      %max3A_41 = arith.maxsi %convert_element_type3A_38, %max3A_40 : vector<16xi32>
      %min3A_42 = arith.constant 31 : i32
      %min3A_43 = vector.broadcast %min3A_42 : i32 to vector<16xi32>
      %min3A_44 = arith.minsi %max3A_41, %min3A_43 : vector<16xi32>
      %mul3A_45 = arith.constant 32 : i32
      %mul3A_46 = vector.broadcast %mul3A_45 : i32 to vector<16xi32>
      %mul3A_47 = arith.muli %min3A_44, %mul3A_46 : vector<16xi32>
      %add3A_48 = arith.addi %mul3A_25, %mul3A_47 : vector<16xi32>
      %mul3A_49 = arith.constant 16 : i32
      %mul3A_50 = arith.muli %scan3A_8, %mul3A_49 : i32
      %get3A_51 = arith.constant 2 : i32
      %get3A_52 = arith.index_cast %get3A_51 : i32 to index
      %get3A_53 = arith.index_cast %mul3A_50 : i32 to index
      %get3A_54 = tpu.vector_load %arg5[%get3A_52, %get3A_53] {strides = array<i32>} : memref<3x8192xf32, #tpu.memory_space<vmem>>, vector<16xf32>,
      %add3A_55 = arith.constant 3.000000e+00 : f32
      %add3A_56 = vector.broadcast %add3A_55 : f32 to vector<16xf32>
      %add3A_57 = arith.addf %get3A_54, %add3A_56 : vector<16xf32>
      %div3A_58 = arith.constant 1.875000e-01 : f32
      %div3A_59 = vector.broadcast %div3A_58 : f32 to vector<16xf32>
      %div3A_60 = arith.divf %add3A_57, %div3A_59 : vector<16xf32>
      %convert_element_type3A_61 = arith.fptosi %div3A_60 : vector<16xf32> to vector<16xi32>
      %max3A_62 = arith.constant 0 : i32
      %max3A_63 = vector.broadcast %max3A_62 : i32 to vector<16xi32>
      %max3A_64 = arith.maxsi %convert_element_type3A_61, %max3A_63 : vector<16xi32>
      %min3A_65 = arith.constant 31 : i32
      %min3A_66 = vector.broadcast %min3A_65 : i32 to vector<16xi32>
      %min3A_67 = arith.minsi %max3A_64, %min3A_66 : vector<16xi32>
      %mul3A_68 = arith.constant 1 : i32
      %mul3A_69 = vector.broadcast %mul3A_68 : i32 to vector<16xi32>
      %mul3A_70 = arith.muli %min3A_67, %mul3A_69 : vector<16xi32>
      %add3A_71 = arith.addi %add3A_48, %mul3A_70 : vector<16xi32>
      %gather3A = tpu.vector_load_idx %arg6[%add3A_71] : memref<32768xf32, #tpu.memory_space<vmem>>[vector<16xi32>], vector<16xf32>,
      %mul3A_72 = arith.constant 16 : i32
      %mul3A_73 = arith.muli %scan3A_8, %mul3A_72 : i32
      %swap3A = arith.index_cast %mul3A_73 : i32 to index
      %swap3A_74 = tpu.vector_load %arg7[%swap3A] {strides = array<i32>} : memref<8192xf32, #tpu.memory_space<vmem>>, vector<16xf32>,
      tpu.vector_store %arg7[%swap3A], %gather3A {strides = array<i32>} : memref<8192xf32, #tpu.memory_space<vmem>>, vector<16xf32>,
    }
    %scan3A_7 = arith.constant 512 : i32
    "tpu.region"() ({
      %run_scoped3A = tpu.sem_alloc : memref<!tpu.dma_semaphore, #tpu.memory_space<semaphore_mem>>
      %dma_start3A = tpu.memref_slice %arg4[%mul3A_2] : memref<262144xf32, #tpu.memory_space<hbm>> -> memref<8192xf32, #tpu.memory_space<hbm>>
      %dma_start3A_8 = tpu.memref_slice %arg4[%mul3A_2] : memref<262144xf32, #tpu.memory_space<hbm>> -> memref<8192xf32, #tpu.memory_space<hbm>>
      tpu.enqueue_dma source(%arg7 : memref<8192xf32, #tpu.memory_space<vmem>>) target(%dma_start3A_8 : memref<8192xf32, #tpu.memory_space<hbm>>) target_semaphore(%run_scoped3A : memref<!tpu.dma_semaphore, #tpu.memory_space<semaphore_mem>>)
      %dma_wait3A = tpu.memref_slice %arg4[%mul3A_2] : memref<262144xf32, #tpu.memory_space<hbm>> -> memref<8192xf32, #tpu.memory_space<hbm>>
      %dma_wait3A_9 = tpu.memref_slice %arg4[%mul3A_2] : memref<262144xf32, #tpu.memory_space<hbm>> -> memref<8192xf32, #tpu.memory_space<hbm>>
      tpu.wait_dma2 semaphore(%run_scoped3A : memref<!tpu.dma_semaphore, #tpu.memory_space<semaphore_mem>>) src(%arg7 : memref<8192xf32, #tpu.memory_space<vmem>>) dst(%dma_wait3A_9 : memref<8192xf32, #tpu.memory_space<hbm>>)
      tpu.yield
    }) : () -> ()
    return
  }
}

module attributes {stable_mosaic.version = 14 : i64} {
  func.func @_tc_body(%arg0: i32, %arg1: memref<64x64xf32, #tpu.memory_space<vmem>>, %arg2: memref<64x64xf32, #tpu.memory_space<vmem>>, %arg3: memref<64x64xf32, #tpu.memory_space<vmem>>, %arg4: memref<64x3xf32, #tpu.memory_space<vmem>>, %arg5: memref<64x64xf32, #tpu.memory_space<vmem>>, %arg6: memref<1x90xf32, #tpu.memory_space<vmem>>, %arg7: memref<90x64xf32, #tpu.memory_space<vmem>>, %arg8: memref<90x64xf32, #tpu.memory_space<vmem>>, %arg9: memref<1x64xf32, #tpu.memory_space<vmem>>, %arg10: memref<64x64xf32, #tpu.memory_space<vmem>>, %arg11: memref<1x64xf32, #tpu.memory_space<vmem>>, %arg12: memref<64x64xf32, #tpu.memory_space<vmem>>, %arg13: memref<90x64xf32, #tpu.memory_space<vmem>>, %arg14: memref<90x64xf32, #tpu.memory_space<vmem>>, %arg15: memref<1x64xf32, #tpu.memory_space<vmem>>, %arg16: memref<64x3xf32, #tpu.memory_space<vmem>>, %arg17: memref<1x3xf32, #tpu.memory_space<vmem>>, %arg18: memref<1x64xf32, #tpu.memory_space<vmem>>, %arg19: memref<1x1xf32, #tpu.memory_space<vmem>>, %arg20: memref<64x64xf32, #tpu.memory_space<vmem>>, %arg21: memref<64x64x3xf32, #tpu.memory_space<vmem>>) attributes {dimension_semantics = [#tpu.dimension_semantics<arbitrary>], iteration_bounds = array<i64: 64>, scalar_prefetch = 0 : i64, scratch_operands = 0 : i64, tpu.core_type = #tpu.core_type<tc>, window_params = [{transform_indices = @transform_0, window_bounds = array<i64: 64, 64>}, {transform_indices = @transform_1, window_bounds = array<i64: 64, 64>}, {transform_indices = @transform_2, window_bounds = array<i64: 64, 64>}, {transform_indices = @transform_3, window_bounds = array<i64: 64, 3>}, {transform_indices = @transform_4, window_bounds = array<i64: 64, 64>}, {pipeline_mode = #tpu.pipeline_mode<synchronous>, transform_indices = @transform_5, window_bounds = array<i64: 1, 90>}, {pipeline_mode = #tpu.pipeline_mode<synchronous>, transform_indices = @transform_6, window_bounds = array<i64: 90, 64>}, {pipeline_mode = #tpu.pipeline_mode<synchronous>, transform_indices = @transform_7, window_bounds = array<i64: 90, 64>}, {pipeline_mode = #tpu.pipeline_mode<synchronous>, transform_indices = @transform_8, window_bounds = array<i64: 1, 64>}, {pipeline_mode = #tpu.pipeline_mode<synchronous>, transform_indices = @transform_9, window_bounds = array<i64: 64, 64>}, {pipeline_mode = #tpu.pipeline_mode<synchronous>, transform_indices = @transform_10, window_bounds = array<i64: 1, 64>}, {pipeline_mode = #tpu.pipeline_mode<synchronous>, transform_indices = @transform_11, window_bounds = array<i64: 64, 64>}, {pipeline_mode = #tpu.pipeline_mode<synchronous>, transform_indices = @transform_12, window_bounds = array<i64: 90, 64>}, {pipeline_mode = #tpu.pipeline_mode<synchronous>, transform_indices = @transform_13, window_bounds = array<i64: 90, 64>}, {pipeline_mode = #tpu.pipeline_mode<synchronous>, transform_indices = @transform_14, window_bounds = array<i64: 1, 64>}, {pipeline_mode = #tpu.pipeline_mode<synchronous>, transform_indices = @transform_15, window_bounds = array<i64: 64, 3>}, {pipeline_mode = #tpu.pipeline_mode<synchronous>, transform_indices = @transform_16, window_bounds = array<i64: 1, 3>}, {pipeline_mode = #tpu.pipeline_mode<synchronous>, transform_indices = @transform_17, window_bounds = array<i64: 1, 64>}, {pipeline_mode = #tpu.pipeline_mode<synchronous>, transform_indices = @transform_18, window_bounds = array<i64: 1, 1>}, {transform_indices = @transform_19, window_bounds = array<i64: 64, 64>}, {transform_indices = @transform_20, window_bounds = array<i64: 64, 64, 3>}]} {
    %get3A = arith.constant 0 : index
    %get3A_0 = arith.constant 0 : index
    %get3A_1 = vector.load %arg6[%get3A, %get3A_0] : memref<1x90xf32, #tpu.memory_space<vmem>>, vector<1x90xf32>
    %get3A_2 = arith.constant 0 : index
    %get3A_3 = arith.constant 0 : index
    %get3A_4 = vector.load %arg1[%get3A_2, %get3A_3] : memref<64x64xf32, #tpu.memory_space<vmem>>, vector<64x64xf32>
    %get3A_5 = arith.constant 0 : index
    %get3A_6 = arith.constant 0 : index
    %get3A_7 = vector.load %arg2[%get3A_5, %get3A_6] : memref<64x64xf32, #tpu.memory_space<vmem>>, vector<64x64xf32>
    %get3A_8 = arith.constant 0 : index
    %get3A_9 = arith.constant 0 : index
    %get3A_10 = vector.load %arg3[%get3A_8, %get3A_9] : memref<64x64xf32, #tpu.memory_space<vmem>>, vector<64x64xf32>
    %iota3A = tpu.iota {dimensions = array<i32: 2>} : vector<64x64x90xi32>
    %lt3A = arith.constant 30 : i32
    %lt3A_11 = vector.broadcast %lt3A : i32 to vector<64x64x90xi32>
    %lt3A_12 = arith.cmpi slt, %iota3A, %lt3A_11 : vector<64x64x90xi32>
    %broadcast_in_dim3A = vector.shape_cast %get3A_4 : vector<64x64xf32> to vector<64x64x1xf32>
    %lt3A_13 = arith.constant 60 : i32
    %lt3A_14 = vector.broadcast %lt3A_13 : i32 to vector<64x64x90xi32>
    %lt3A_15 = arith.cmpi slt, %iota3A, %lt3A_14 : vector<64x64x90xi32>
    %broadcast_in_dim3A_16 = vector.shape_cast %get3A_7 : vector<64x64xf32> to vector<64x64x1xf32>
    %broadcast_in_dim3A_17 = vector.shape_cast %get3A_10 : vector<64x64xf32> to vector<64x64x1xf32>
    %broadcast_in_dim3A_18 = vector.shape_cast %broadcast_in_dim3A_16 : vector<64x64x1xf32> to vector<64x64x1xf32>
    %broadcast_in_dim3A_19 = vector.broadcast %broadcast_in_dim3A_18 : vector<64x64x1xf32> to vector<64x64x90xf32>
    %broadcast_in_dim3A_20 = vector.shape_cast %broadcast_in_dim3A_17 : vector<64x64x1xf32> to vector<64x64x1xf32>
    %broadcast_in_dim3A_21 = vector.broadcast %broadcast_in_dim3A_20 : vector<64x64x1xf32> to vector<64x64x90xf32>
    %select_n3A = arith.select %lt3A_15, %broadcast_in_dim3A_19, %broadcast_in_dim3A_21 : vector<64x64x90xi1>, vector<64x64x90xf32>
    %broadcast_in_dim3A_22 = vector.shape_cast %broadcast_in_dim3A : vector<64x64x1xf32> to vector<64x64x1xf32>
    %broadcast_in_dim3A_23 = vector.broadcast %broadcast_in_dim3A_22 : vector<64x64x1xf32> to vector<64x64x90xf32>
    %select_n3A_24 = arith.select %lt3A_12, %broadcast_in_dim3A_23, %select_n3A : vector<64x64x90xi1>, vector<64x64x90xf32>
    %squeeze3A = vector.shape_cast %get3A_1 : vector<1x90xf32> to vector<90xf32>
    %broadcast_in_dim3A_25 = vector.shape_cast %squeeze3A : vector<90xf32> to vector<1x1x90xf32>
    %mul3A = vector.broadcast %broadcast_in_dim3A_25 : vector<1x1x90xf32> to vector<64x64x90xf32>
    %mul3A_26 = arith.mulf %select_n3A_24, %mul3A : vector<64x64x90xf32>
    %reshape3A = vector.shape_cast %mul3A_26 : vector<64x64x90xf32> to vector<4096x90xf32>
    %sin3A = math.sin %reshape3A : vector<4096x90xf32>
    %get3A_27 = arith.constant 0 : index
    %get3A_28 = arith.constant 0 : index
    %get3A_29 = vector.load %arg7[%get3A_27, %get3A_28] : memref<90x64xf32, #tpu.memory_space<vmem>>, vector<90x64xf32>
    %dot_general3A = arith.constant dense<0.000000e+00> : vector<4096x64xf32>
    %dot_general3A_30 = tpu.matmul %sin3A, %get3A_29, %dot_general3A {dimension_numbers = #tpu.dot_dimension_numbers<[1], [0], [0], [1], [0, 0, 1, 1], [], []>, transpose_lhs_hint = false} : vector<4096x90xf32>, vector<90x64xf32>, vector<4096x64xf32> -> vector<4096x64xf32>
    %cos3A = math.cos %reshape3A : vector<4096x90xf32>
    %get3A_31 = arith.constant 0 : index
    %get3A_32 = arith.constant 0 : index
    %get3A_33 = vector.load %arg8[%get3A_31, %get3A_32] : memref<90x64xf32, #tpu.memory_space<vmem>>, vector<90x64xf32>
    %dot_general3A_34 = arith.constant dense<0.000000e+00> : vector<4096x64xf32>
    %dot_general3A_35 = tpu.matmul %cos3A, %get3A_33, %dot_general3A_34 {dimension_numbers = #tpu.dot_dimension_numbers<[1], [0], [0], [1], [0, 0, 1, 1], [], []>, transpose_lhs_hint = false} : vector<4096x90xf32>, vector<90x64xf32>, vector<4096x64xf32> -> vector<4096x64xf32>
    %add3A = arith.addf %dot_general3A_30, %dot_general3A_35 : vector<4096x64xf32>
    %get3A_36 = arith.constant 0 : index
    %get3A_37 = arith.constant 0 : index
    %get3A_38 = vector.load %arg9[%get3A_36, %get3A_37] : memref<1x64xf32, #tpu.memory_space<vmem>>, vector<1x64xf32>
    %add3A_39 = vector.broadcast %get3A_38 : vector<1x64xf32> to vector<4096x64xf32>
    %add3A_40 = arith.addf %add3A, %add3A_39 : vector<4096x64xf32>
    %mul3A_41 = arith.constant 1.000000e+01 : f32
    %mul3A_42 = vector.broadcast %mul3A_41 : f32 to vector<4096x64xf32>
    %mul3A_43 = arith.mulf %mul3A_42, %add3A_40 : vector<4096x64xf32>
    %max3A = arith.constant 0.000000e+00 : f32
    %max3A_44 = vector.broadcast %max3A : f32 to vector<4096x64xf32>
    %max3A_45 = arith.maximumf %mul3A_43, %max3A_44 : vector<4096x64xf32>
    %abs3A = math.absf %mul3A_43 : vector<4096x64xf32>
    %neg3A = arith.constant 0.000000e+00 : f32
    %neg3A_46 = vector.broadcast %neg3A : f32 to vector<4096x64xf32>
    %neg3A_47 = arith.subf %neg3A_46, %abs3A : vector<4096x64xf32>
    %exp3A = math.exp %neg3A_47 : vector<4096x64xf32>
    %log1p3A = math.log1p %exp3A : vector<4096x64xf32>
    %add3A_48 = arith.addf %max3A_45, %log1p3A : vector<4096x64xf32>
    %mul3A_49 = arith.constant 1.000000e-01 : f32
    %mul3A_50 = vector.broadcast %mul3A_49 : f32 to vector<4096x64xf32>
    %mul3A_51 = arith.mulf %add3A_48, %mul3A_50 : vector<4096x64xf32>
    %get3A_52 = arith.constant 0 : index
    %get3A_53 = arith.constant 0 : index
    %get3A_54 = vector.load %arg10[%get3A_52, %get3A_53] : memref<64x64xf32, #tpu.memory_space<vmem>>, vector<64x64xf32>
    %dot_general3A_55 = arith.constant dense<0.000000e+00> : vector<4096x64xf32>
    %dot_general3A_56 = tpu.matmul %mul3A_51, %get3A_54, %dot_general3A_55 {dimension_numbers = #tpu.dot_dimension_numbers<[1], [0], [0], [1], [0, 0, 1, 1], [], []>, transpose_lhs_hint = false} : vector<4096x64xf32>, vector<64x64xf32>, vector<4096x64xf32> -> vector<4096x64xf32>
    %get3A_57 = arith.constant 0 : index
    %get3A_58 = arith.constant 0 : index
    %get3A_59 = vector.load %arg11[%get3A_57, %get3A_58] : memref<1x64xf32, #tpu.memory_space<vmem>>, vector<1x64xf32>
    %add3A_60 = vector.broadcast %get3A_59 : vector<1x64xf32> to vector<4096x64xf32>
    %add3A_61 = arith.addf %dot_general3A_56, %add3A_60 : vector<4096x64xf32>
    %mul3A_62 = arith.constant 1.000000e+01 : f32
    %mul3A_63 = vector.broadcast %mul3A_62 : f32 to vector<4096x64xf32>
    %mul3A_64 = arith.mulf %mul3A_63, %add3A_61 : vector<4096x64xf32>
    %max3A_65 = arith.constant 0.000000e+00 : f32
    %max3A_66 = vector.broadcast %max3A_65 : f32 to vector<4096x64xf32>
    %max3A_67 = arith.maximumf %mul3A_64, %max3A_66 : vector<4096x64xf32>
    %abs3A_68 = math.absf %mul3A_64 : vector<4096x64xf32>
    %neg3A_69 = arith.constant 0.000000e+00 : f32
    %neg3A_70 = vector.broadcast %neg3A_69 : f32 to vector<4096x64xf32>
    %neg3A_71 = arith.subf %neg3A_70, %abs3A_68 : vector<4096x64xf32>
    %exp3A_72 = math.exp %neg3A_71 : vector<4096x64xf32>
    %log1p3A_73 = math.log1p %exp3A_72 : vector<4096x64xf32>
    %add3A_74 = arith.addf %max3A_67, %log1p3A_73 : vector<4096x64xf32>
    %mul3A_75 = arith.constant 1.000000e-01 : f32
    %mul3A_76 = vector.broadcast %mul3A_75 : f32 to vector<4096x64xf32>
    %mul3A_77 = arith.mulf %add3A_74, %mul3A_76 : vector<4096x64xf32>
    %reshape3A_78 = vector.shape_cast %mul3A_77 : vector<4096x64xf32> to vector<64x64x64xf32>
    %get3A_79 = arith.constant 0 : index
    %get3A_80 = arith.constant 0 : index
    %get3A_81 = vector.load %arg18[%get3A_79, %get3A_80] : memref<1x64xf32, #tpu.memory_space<vmem>>, vector<1x64xf32>
    %squeeze3A_82 = vector.shape_cast %get3A_81 : vector<1x64xf32> to vector<64xf32>
    %broadcast_in_dim3A_83 = vector.shape_cast %squeeze3A_82 : vector<64xf32> to vector<1x1x64xf32>
    %mul3A_84 = vector.broadcast %broadcast_in_dim3A_83 : vector<1x1x64xf32> to vector<64x64x64xf32>
    %mul3A_85 = arith.mulf %reshape3A_78, %mul3A_84 : vector<64x64x64xf32>
    %reduce_sum3A = arith.constant dense<0.000000e+00> : vector<64x64xf32>
    %reduce_sum3A_86 = vector.multi_reduction <add>, %mul3A_85, %reduce_sum3A [2] : vector<64x64x64xf32> to vector<64x64xf32>
    %get3A_87 = arith.constant 0 : index
    %get3A_88 = arith.constant 0 : index
    %get3A_89 = vector.load %arg19[%get3A_87, %get3A_88] : memref<1x1xf32, #tpu.memory_space<vmem>>, vector<1x1xf32>
    %get3A_90 = vector.extract %get3A_89[0, 0] : f32 from vector<1x1xf32>
    %add3A_91 = vector.broadcast %get3A_90 : f32 to vector<64x64xf32>
    %add3A_92 = arith.addf %reduce_sum3A_86, %add3A_91 : vector<64x64xf32>
    %mul3A_93 = arith.constant 1.000000e+01 : f32
    %mul3A_94 = vector.broadcast %mul3A_93 : f32 to vector<64x64xf32>
    %mul3A_95 = arith.mulf %mul3A_94, %add3A_92 : vector<64x64xf32>
    %max3A_96 = arith.constant 0.000000e+00 : f32
    %max3A_97 = vector.broadcast %max3A_96 : f32 to vector<64x64xf32>
    %max3A_98 = arith.maximumf %mul3A_95, %max3A_97 : vector<64x64xf32>
    %abs3A_99 = math.absf %mul3A_95 : vector<64x64xf32>
    %neg3A_100 = arith.constant 0.000000e+00 : f32
    %neg3A_101 = vector.broadcast %neg3A_100 : f32 to vector<64x64xf32>
    %neg3A_102 = arith.subf %neg3A_101, %abs3A_99 : vector<64x64xf32>
    %exp3A_103 = math.exp %neg3A_102 : vector<64x64xf32>
    %log1p3A_104 = math.log1p %exp3A_103 : vector<64x64xf32>
    %add3A_105 = arith.addf %max3A_98, %log1p3A_104 : vector<64x64xf32>
    %mul3A_106 = arith.constant 1.000000e-01 : f32
    %mul3A_107 = vector.broadcast %mul3A_106 : f32 to vector<64x64xf32>
    %mul3A_108 = arith.mulf %add3A_105, %mul3A_107 : vector<64x64xf32>
    %neg3A_109 = arith.constant 0.000000e+00 : f32
    %neg3A_110 = vector.broadcast %neg3A_109 : f32 to vector<64x64xf32>
    %neg3A_111 = arith.subf %neg3A_110, %mul3A_108 : vector<64x64xf32>
    %exp3A_112 = math.exp %neg3A_111 : vector<64x64xf32>
    %sub3A = arith.constant 1.000000e+00 : f32
    %sub3A_113 = vector.broadcast %sub3A : f32 to vector<64x64xf32>
    %sub3A_114 = arith.subf %sub3A_113, %exp3A_112 : vector<64x64xf32>
    %get3A_115 = arith.constant 0 : index
    %get3A_116 = arith.constant 0 : index
    %get3A_117 = vector.load %arg4[%get3A_115, %get3A_116] : memref<64x3xf32, #tpu.memory_space<vmem>>, vector<64x3xf32>
    %iota3A_118 = tpu.iota {dimensions = array<i32: 1>} : vector<64x90xi32>
    %lt3A_119 = arith.constant 30 : i32
    %lt3A_120 = vector.broadcast %lt3A_119 : i32 to vector<64x90xi32>
    %lt3A_121 = arith.cmpi slt, %iota3A_118, %lt3A_120 : vector<64x90xi32>
    %slice3A = vector.extract_strided_slice %get3A_117 {offsets = [0, 0], sizes = [64, 1], strides = [1, 1]} : vector<64x3xf32> to vector<64x1xf32>
    %lt3A_122 = arith.constant 60 : i32
    %lt3A_123 = vector.broadcast %lt3A_122 : i32 to vector<64x90xi32>
    %lt3A_124 = arith.cmpi slt, %iota3A_118, %lt3A_123 : vector<64x90xi32>
    %slice3A_125 = vector.extract_strided_slice %get3A_117 {offsets = [0, 1], sizes = [64, 1], strides = [1, 1]} : vector<64x3xf32> to vector<64x1xf32>
    %slice3A_126 = vector.extract_strided_slice %get3A_117 {offsets = [0, 2], sizes = [64, 1], strides = [1, 1]} : vector<64x3xf32> to vector<64x1xf32>
    %broadcast_in_dim3A_127 = vector.shape_cast %slice3A_125 : vector<64x1xf32> to vector<64x1xf32>
    %broadcast_in_dim3A_128 = vector.broadcast %broadcast_in_dim3A_127 : vector<64x1xf32> to vector<64x90xf32>
    %broadcast_in_dim3A_129 = vector.shape_cast %slice3A_126 : vector<64x1xf32> to vector<64x1xf32>
    %broadcast_in_dim3A_130 = vector.broadcast %broadcast_in_dim3A_129 : vector<64x1xf32> to vector<64x90xf32>
    %select_n3A_131 = arith.select %lt3A_124, %broadcast_in_dim3A_128, %broadcast_in_dim3A_130 : vector<64x90xi1>, vector<64x90xf32>
    %broadcast_in_dim3A_132 = vector.shape_cast %slice3A : vector<64x1xf32> to vector<64x1xf32>
    %broadcast_in_dim3A_133 = vector.broadcast %broadcast_in_dim3A_132 : vector<64x1xf32> to vector<64x90xf32>
    %select_n3A_134 = arith.select %lt3A_121, %broadcast_in_dim3A_133, %select_n3A_131 : vector<64x90xi1>, vector<64x90xf32>
    %mul3A_135 = vector.broadcast %get3A_1 : vector<1x90xf32> to vector<64x90xf32>
    %mul3A_136 = arith.mulf %select_n3A_134, %mul3A_135 : vector<64x90xf32>
    %sin3A_137 = math.sin %mul3A_136 : vector<64x90xf32>
    %get3A_138 = arith.constant 0 : index
    %get3A_139 = arith.constant 0 : index
    %get3A_140 = vector.load %arg13[%get3A_138, %get3A_139] : memref<90x64xf32, #tpu.memory_space<vmem>>, vector<90x64xf32>
    %dot_general3A_141 = arith.constant dense<0.000000e+00> : vector<64x64xf32>
    %dot_general3A_142 = tpu.matmul %sin3A_137, %get3A_140, %dot_general3A_141 {dimension_numbers = #tpu.dot_dimension_numbers<[1], [0], [0], [1], [0, 0, 1, 1], [], []>, transpose_lhs_hint = false} : vector<64x90xf32>, vector<90x64xf32>, vector<64x64xf32> -> vector<64x64xf32>
    %cos3A_143 = math.cos %mul3A_136 : vector<64x90xf32>
    %get3A_144 = arith.constant 0 : index
    %get3A_145 = arith.constant 0 : index
    %get3A_146 = vector.load %arg14[%get3A_144, %get3A_145] : memref<90x64xf32, #tpu.memory_space<vmem>>, vector<90x64xf32>
    %dot_general3A_147 = arith.constant dense<0.000000e+00> : vector<64x64xf32>
    %dot_general3A_148 = tpu.matmul %cos3A_143, %get3A_146, %dot_general3A_147 {dimension_numbers = #tpu.dot_dimension_numbers<[1], [0], [0], [1], [0, 0, 1, 1], [], []>, transpose_lhs_hint = false} : vector<64x90xf32>, vector<90x64xf32>, vector<64x64xf32> -> vector<64x64xf32>
    %add3A_149 = arith.addf %dot_general3A_142, %dot_general3A_148 : vector<64x64xf32>
    %get3A_150 = arith.constant 0 : index
    %get3A_151 = arith.constant 0 : index
    %get3A_152 = vector.load %arg15[%get3A_150, %get3A_151] : memref<1x64xf32, #tpu.memory_space<vmem>>, vector<1x64xf32>
    %add3A_153 = vector.broadcast %get3A_152 : vector<1x64xf32> to vector<64x64xf32>
    %add3A_154 = arith.addf %add3A_149, %add3A_153 : vector<64x64xf32>
    %get3A_155 = arith.constant 0 : index
    %get3A_156 = arith.constant 0 : index
    %get3A_157 = vector.load %arg12[%get3A_155, %get3A_156] : memref<64x64xf32, #tpu.memory_space<vmem>>, vector<64x64xf32>
    %dot_general3A_158 = arith.constant dense<0.000000e+00> : vector<4096x64xf32>
    %dot_general3A_159 = tpu.matmul %mul3A_77, %get3A_157, %dot_general3A_158 {dimension_numbers = #tpu.dot_dimension_numbers<[1], [0], [0], [1], [0, 0, 1, 1], [], []>, transpose_lhs_hint = false} : vector<4096x64xf32>, vector<64x64xf32>, vector<4096x64xf32> -> vector<4096x64xf32>
    %reshape3A_160 = vector.shape_cast %dot_general3A_159 : vector<4096x64xf32> to vector<64x64x64xf32>
    %broadcast_in_dim3A_161 = vector.shape_cast %add3A_154 : vector<64x64xf32> to vector<64x1x64xf32>
    %add3A_162 = vector.broadcast %broadcast_in_dim3A_161 : vector<64x1x64xf32> to vector<64x64x64xf32>
    %add3A_163 = arith.addf %reshape3A_160, %add3A_162 : vector<64x64x64xf32>
    %mul3A_164 = arith.constant 1.000000e+01 : f32
    %mul3A_165 = vector.broadcast %mul3A_164 : f32 to vector<64x64x64xf32>
    %mul3A_166 = arith.mulf %mul3A_165, %add3A_163 : vector<64x64x64xf32>
    %max3A_167 = arith.constant 0.000000e+00 : f32
    %max3A_168 = vector.broadcast %max3A_167 : f32 to vector<64x64x64xf32>
    %max3A_169 = arith.maximumf %mul3A_166, %max3A_168 : vector<64x64x64xf32>
    %abs3A_170 = math.absf %mul3A_166 : vector<64x64x64xf32>
    %neg3A_171 = arith.constant 0.000000e+00 : f32
    %neg3A_172 = vector.broadcast %neg3A_171 : f32 to vector<64x64x64xf32>
    %neg3A_173 = arith.subf %neg3A_172, %abs3A_170 : vector<64x64x64xf32>
    %exp3A_174 = math.exp %neg3A_173 : vector<64x64x64xf32>
    %log1p3A_175 = math.log1p %exp3A_174 : vector<64x64x64xf32>
    %add3A_176 = arith.addf %max3A_169, %log1p3A_175 : vector<64x64x64xf32>
    %mul3A_177 = arith.constant 1.000000e-01 : f32
    %mul3A_178 = vector.broadcast %mul3A_177 : f32 to vector<64x64x64xf32>
    %mul3A_179 = arith.mulf %add3A_176, %mul3A_178 : vector<64x64x64xf32>
    %reshape3A_180 = vector.shape_cast %mul3A_179 : vector<64x64x64xf32> to vector<4096x64xf32>
    %get3A_181 = arith.constant 0 : index
    %get3A_182 = arith.constant 0 : index
    %get3A_183 = vector.load %arg16[%get3A_181, %get3A_182] : memref<64x3xf32, #tpu.memory_space<vmem>>, vector<64x3xf32>
    %dot_general3A_184 = arith.constant dense<0.000000e+00> : vector<4096x3xf32>
    %dot_general3A_185 = tpu.matmul %reshape3A_180, %get3A_183, %dot_general3A_184 {dimension_numbers = #tpu.dot_dimension_numbers<[1], [0], [0], [1], [0, 0, 1, 1], [], []>, transpose_lhs_hint = false} : vector<4096x64xf32>, vector<64x3xf32>, vector<4096x3xf32> -> vector<4096x3xf32>
    %get3A_186 = arith.constant 0 : index
    %get3A_187 = arith.constant 0 : index
    %get3A_188 = vector.load %arg17[%get3A_186, %get3A_187] : memref<1x3xf32, #tpu.memory_space<vmem>>, vector<1x3xf32>
    %add3A_189 = vector.broadcast %get3A_188 : vector<1x3xf32> to vector<4096x3xf32>
    %add3A_190 = arith.addf %dot_general3A_185, %add3A_189 : vector<4096x3xf32>
    %neg3A_191 = arith.constant 0.000000e+00 : f32
    %neg3A_192 = vector.broadcast %neg3A_191 : f32 to vector<4096x3xf32>
    %neg3A_193 = arith.subf %neg3A_192, %add3A_190 : vector<4096x3xf32>
    %exp3A_194 = math.exp %neg3A_193 : vector<4096x3xf32>
    %add3A_195 = arith.constant 1.000000e+00 : f32
    %add3A_196 = vector.broadcast %add3A_195 : f32 to vector<4096x3xf32>
    %add3A_197 = arith.addf %add3A_196, %exp3A_194 : vector<4096x3xf32>
    %div3A = arith.constant 1.000000e+00 : f32
    %div3A_198 = vector.broadcast %div3A : f32 to vector<4096x3xf32>
    %div3A_199 = arith.divf %div3A_198, %add3A_197 : vector<4096x3xf32>
    %get3A_200 = arith.constant 0 : index
    %get3A_201 = arith.constant 0 : index
    %get3A_202 = vector.load %arg5[%get3A_200, %get3A_201] : memref<64x64xf32, #tpu.memory_space<vmem>>, vector<64x64xf32>
    %mul3A_203 = arith.mulf %sub3A_114, %get3A_202 : vector<64x64xf32>
    %swap3A = arith.constant 0 : index
    %swap3A_204 = arith.constant 0 : index
    %swap3A_205 = vector.load %arg20[%swap3A, %swap3A_204] : memref<64x64xf32, #tpu.memory_space<vmem>>, vector<64x64xf32>
    tpu.vector_store %arg20[%swap3A, %swap3A_204], %mul3A_203 {strides = array<i32>} : memref<64x64xf32, #tpu.memory_space<vmem>>, vector<64x64xf32>,
    %reshape3A_206 = vector.shape_cast %div3A_199 : vector<4096x3xf32> to vector<64x64x3xf32>
    %broadcast_in_dim3A_207 = vector.shape_cast %get3A_202 : vector<64x64xf32> to vector<64x64x1xf32>
    %mul3A_208 = vector.broadcast %broadcast_in_dim3A_207 : vector<64x64x1xf32> to vector<64x64x3xf32>
    %mul3A_209 = arith.mulf %reshape3A_206, %mul3A_208 : vector<64x64x3xf32>
    %swap3A_210 = arith.constant 0 : index
    %swap3A_211 = arith.constant 0 : index
    %swap3A_212 = arith.constant 0 : index
    %swap3A_213 = vector.load %arg21[%swap3A_210, %swap3A_211, %swap3A_212] : memref<64x64x3xf32, #tpu.memory_space<vmem>>, vector<64x64x3xf32>
    tpu.vector_store %arg21[%swap3A_210, %swap3A_211, %swap3A_212], %mul3A_209 {strides = array<i32>} : memref<64x64x3xf32, #tpu.memory_space<vmem>>, vector<64x64x3xf32>,
    return
  }
  func.func @transform_0(%arg0: i32) -> (i32, i32) {
    %c0_i32 = arith.constant 0 : i32
    %c0_i32_0 = arith.constant 0 : i32
    return %arg0, %c0_i32 : i32, i32
  }
  func.func @transform_1(%arg0: i32) -> (i32, i32) {
    %c0_i32 = arith.constant 0 : i32
    %c0_i32_0 = arith.constant 0 : i32
    return %arg0, %c0_i32 : i32, i32
  }
  func.func @transform_2(%arg0: i32) -> (i32, i32) {
    %c0_i32 = arith.constant 0 : i32
    %c0_i32_0 = arith.constant 0 : i32
    return %arg0, %c0_i32 : i32, i32
  }
  func.func @transform_3(%arg0: i32) -> (i32, i32) {
    %c0_i32 = arith.constant 0 : i32
    %c0_i32_0 = arith.constant 0 : i32
    return %arg0, %c0_i32 : i32, i32
  }
  func.func @transform_4(%arg0: i32) -> (i32, i32) {
    %c0_i32 = arith.constant 0 : i32
    %c0_i32_0 = arith.constant 0 : i32
    return %arg0, %c0_i32 : i32, i32
  }
  func.func @transform_5(%arg0: i32) -> (i32, i32) {
    %c0_i32 = arith.constant 0 : i32
    %c0_i32_0 = arith.constant 0 : i32
    %c0_i32_1 = arith.constant 0 : i32
    return %c0_i32, %c0_i32_0 : i32, i32
  }
  func.func @transform_6(%arg0: i32) -> (i32, i32) {
    %c0_i32 = arith.constant 0 : i32
    %c0_i32_0 = arith.constant 0 : i32
    %c0_i32_1 = arith.constant 0 : i32
    return %c0_i32, %c0_i32_0 : i32, i32
  }
  func.func @transform_7(%arg0: i32) -> (i32, i32) {
    %c0_i32 = arith.constant 0 : i32
    %c0_i32_0 = arith.constant 0 : i32
    %c0_i32_1 = arith.constant 0 : i32
    return %c0_i32, %c0_i32_0 : i32, i32
  }
  func.func @transform_8(%arg0: i32) -> (i32, i32) {
    %c0_i32 = arith.constant 0 : i32
    %c0_i32_0 = arith.constant 0 : i32
    %c0_i32_1 = arith.constant 0 : i32
    return %c0_i32, %c0_i32_0 : i32, i32
  }
  func.func @transform_9(%arg0: i32) -> (i32, i32) {
    %c0_i32 = arith.constant 0 : i32
    %c0_i32_0 = arith.constant 0 : i32
    %c0_i32_1 = arith.constant 0 : i32
    return %c0_i32, %c0_i32_0 : i32, i32
  }
  func.func @transform_10(%arg0: i32) -> (i32, i32) {
    %c0_i32 = arith.constant 0 : i32
    %c0_i32_0 = arith.constant 0 : i32
    %c0_i32_1 = arith.constant 0 : i32
    return %c0_i32, %c0_i32_0 : i32, i32
  }
  func.func @transform_11(%arg0: i32) -> (i32, i32) {
    %c0_i32 = arith.constant 0 : i32
    %c0_i32_0 = arith.constant 0 : i32
    %c0_i32_1 = arith.constant 0 : i32
    return %c0_i32, %c0_i32_0 : i32, i32
  }
  func.func @transform_12(%arg0: i32) -> (i32, i32) {
    %c0_i32 = arith.constant 0 : i32
    %c0_i32_0 = arith.constant 0 : i32
    %c0_i32_1 = arith.constant 0 : i32
    return %c0_i32, %c0_i32_0 : i32, i32
  }
  func.func @transform_13(%arg0: i32) -> (i32, i32) {
    %c0_i32 = arith.constant 0 : i32
    %c0_i32_0 = arith.constant 0 : i32
    %c0_i32_1 = arith.constant 0 : i32
    return %c0_i32, %c0_i32_0 : i32, i32
  }
  func.func @transform_14(%arg0: i32) -> (i32, i32) {
    %c0_i32 = arith.constant 0 : i32
    %c0_i32_0 = arith.constant 0 : i32
    %c0_i32_1 = arith.constant 0 : i32
    return %c0_i32, %c0_i32_0 : i32, i32
  }
  func.func @transform_15(%arg0: i32) -> (i32, i32) {
    %c0_i32 = arith.constant 0 : i32
    %c0_i32_0 = arith.constant 0 : i32
    %c0_i32_1 = arith.constant 0 : i32
    return %c0_i32, %c0_i32_0 : i32, i32
  }
  func.func @transform_16(%arg0: i32) -> (i32, i32) {
    %c0_i32 = arith.constant 0 : i32
    %c0_i32_0 = arith.constant 0 : i32
    %c0_i32_1 = arith.constant 0 : i32
    return %c0_i32, %c0_i32_0 : i32, i32
  }
  func.func @transform_17(%arg0: i32) -> (i32, i32) {
    %c0_i32 = arith.constant 0 : i32
    %c0_i32_0 = arith.constant 0 : i32
    %c0_i32_1 = arith.constant 0 : i32
    return %c0_i32, %c0_i32_0 : i32, i32
  }
  func.func @transform_18(%arg0: i32) -> (i32, i32) {
    %c0_i32 = arith.constant 0 : i32
    %c0_i32_0 = arith.constant 0 : i32
    %c0_i32_1 = arith.constant 0 : i32
    return %c0_i32, %c0_i32_0 : i32, i32
  }
  func.func @transform_19(%arg0: i32) -> (i32, i32) {
    %c0_i32 = arith.constant 0 : i32
    %c0_i32_0 = arith.constant 0 : i32
    return %arg0, %c0_i32 : i32, i32
  }
  func.func @transform_20(%arg0: i32) -> (i32, i32, i32) {
    %c0_i32 = arith.constant 0 : i32
    %c0_i32_0 = arith.constant 0 : i32
    %c0_i32_1 = arith.constant 0 : i32
    return %arg0, %c0_i32, %c0_i32_0 : i32, i32, i32
  }
}

</mosaic_0001>

<sc_bundles>
// kernel: kernel.4.cloned.1.call-start
scs
__scs_entry_jumppad:
0x0: {  	(pc) =	sbr.rel $0x88, $3  }
0x1: {  	(tag) =	ssettag $0x0;
	lr =	simm.s32 $0x1  }
0x2: {  	[smem:$0x3F92] =	sst lr;
	_ =	strace $0xD0000000  }
0x3: {  	_ = 	snop  }
0x4: {  	_ = 	snop  }
0x5: {  	_ = 	snop  }
0x6: {  	_ = 	snop  }
0x7: {  	_ = 	snop  }
__scs_overlays_trampoline_lowered:
0x8: {  	[smem:$0x3FA1] =	sst s0  }
0x9: {  	[smem:$0x3FA2] =	sst s1  }
0xa: {  	[smem:$0x3FA3] =	sst s2  }
0xb: {  	[smem:$0x3FA4] =	sst s3  }
0xc: {  	[smem:$0x3FA5] =	sst s4  }
0xd: {  	[smem:$0x3FA6] =	sst s5  }
0xe: {  	[smem:$0x3FA7] =	sst s6  }
0xf: {  	[smem:$0x3FA8] =	sst s7  }
0x10: {  	[smem:$0x3FA9] =	sst s8  }
0x11: {  	[smem:$0x3FAA] =	sst s9;
	s0 =	simm.s32 @!p0 $0x0  }
0x12: {  	s1 =	sld [smem:$0x3F90];
	s0 =	simm.s32 @p0 $0x1  }
0x13: {  	[smem:$0x3FAB] =	sst s0;
	s0 =	simm.s32 @!p1 $0x0  }
0x14: {  	s2 =	sld [smem:$0x3F8F];
	s0 =	simm.s32 @p1 $0x1  }
0x15: {  	[smem:$0x3FAC] =	sst s0;
	s0 =	simm.s32 @!p2 $0x0  }
0x16: {  	s3 =	sld [smem:$0x3FDB];
	s0 =	simm.s32 @p2 $0x1  }
0x17: {  	s4 =	simm.s32 $0x1BF5;
	[smem:$0x3FAE] =	sst s0  }
0x18: {  	s0 =	sld [smem:$0x3F91];
	_ =	swait.ge [sflag:s4], $0x0  }
0x19: {  	s7 =	sld [smem:$0x3F92]  }
0x1a: {  	s8 =	sadd.s32 $0xFFFFE003, lr  }
0x1b: {  	s9 =	sadd.s32 $0xFFFFFEF7, lr;
	s5 =	simm.s32 $0xFFFFFFFF;
	p2 =	slt.u32 s8, $0xFFFFF086  }
0x1c: {  	p1 =	slt.u32 s9, $0xF7A;
	s5 =	simm.s32 @!p2 $0x0  }
0x1d: {  	s5 =	simm.s32 @p1 $0x1;
	p0 =	seq.s32 s7, s2  }
0x1e: {  	s7 =	smul.u32 @!p0 $0xF7A, s2;
	p2 =	seq.s32 @!p0 s5, $0x0  }
0x1f: {  	s9 =	smul.u32 $0xF7A, s1;
	s8 =	simm.s32 @!p0 $0x1BF5;
	p2 =	por !p2, p0  }
0x20: {  	[sflag:s8] =	ssyncset.s32 @!p0 $0xFFFFF086;
	s6 =	sadd.s32 @!p0 s3, s7;
	s7 =	simm.s32 @!p0 $0x108  }
0x21: {  	s3 =	sadd.s32 s3, s9;
	s6 =	sadd.s32 @!p0 $0x88, s6;
	s7 =	simm.s32 @p2 $0x1082  }
0x22: {  	[simem:s7], [sflag:s8] =	dma.local @!p0 [hbm:s6], $0xF7A  }
0x23: {  	s9 =	sor.u32 $0xD0000000, s2;
	s6 =	simm.s32 $0x108;
	_ =	swait.ge @!p0 [sflag:s8], $0x0  }
0x24: {  	s3 =	sadd.s32 $0x88, s3;
	s6 =	simm.s32 @!p1 $0x1082;
	[sflag:s4] =	ssyncset.s32 $0xFFFFF086  }
0x25: {  	[simem:s6], [sflag:s4] =	dma.local [hbm:s3], $0xF7A  }
0x26: {  	[smem:$0x3F92] =	sst s1;
	(tag) =	ssettag s2;
	_ =	strace s9  }
0x27: {  	s1 =	sld [smem:$0x3FA2]  }
0x28: {  	s2 =	sld [smem:$0x3FA3]  }
0x29: {  	s4 =	sld [smem:$0x3FA5]  }
0x2a: {  	p0 =	seq.s32 s5, $0x0;
	s5 =	sld [smem:$0x3FA6]  }
0x2b: {  	s6 =	sld [smem:$0x3FA7]  }
0x2c: {  	s7 =	sld [smem:$0x3FA8]  }
0x2d: {  	s3 =	simm.s32 $0x108;
	s8 =	sld [smem:$0x3FA9]  }
0x2e: {  	s3 =	simm.s32 @!p0 $0x1082;
	s9 =	sld [smem:$0x3FAA]  }
0x2f: {  	lr =	sadd.s32 s0, s3;
	s0 =	sld [smem:$0x3FA1]  }
0x30: {  	s3 =	sld [smem:$0x3FA4]  }
0x31: {  	[smem:$0x3FAD] =	sst s10  }
0x32: {  	s10 =	sld [smem:$0x3FAB];
	_ =	sdelay $0x3  }
0x33: {  	p0 =	seq.s32 s10, $0x1;
	s10 =	sld [smem:$0x3FAD];
	_ =	sdelay $0x3  }
0x34: {  	[smem:$0x3FAD] =	sst s10  }
0x35: {  	s10 =	sld [smem:$0x3FAC];
	_ =	sdelay $0x3  }
0x36: {  	p1 =	seq.s32 s10, $0x1;
	s10 =	sld [smem:$0x3FAD];
	_ =	sdelay $0x3  }
0x37: {  	[smem:$0x3FAD] =	sst s10  }
0x38: {  	s10 =	sld [smem:$0x3FAE]  }
0x39: {  	_ = 	snop;
	(pc) =	sbr.ind lr, $3  }
0x3a: {  	_ = 	snop  }
0x3b: {  	_ = 	snop  }
0x3c: {  	p2 =	seq.s32 s10, $0x1;
	s10 =	sld [smem:$0x3FAD]  }
0x3d: {  	_ =	shalt  }
0x3e: {  	_ =	shalt  }
0x3f: {  	_ =	shalt  }
0x40: {  	_ =	shalt  }
0x41: {  	_ =	shalt  }
0x42: {  	_ =	shalt  }
0x43: {  	_ =	shalt  }
0x44: {  	_ =	shalt  }
0x45: {  	_ =	shalt  }
0x46: {  	_ =	shalt  }
0x47: {  	_ =	shalt  }
0x48: {  	_ =	shalt  }
0x49: {  	_ =	shalt  }
0x4a: {  	_ =	shalt  }
0x4b: {  	_ =	shalt  }
0x4c: {  	_ =	shalt  }
0x4d: {  	_ =	shalt  }
0x4e: {  	_ =	shalt  }
0x4f: {  	_ =	shalt  }
0x50: {  	_ =	shalt  }
0x51: {  	_ =	shalt  }
0x52: {  	_ =	shalt  }
0x53: {  	_ =	shalt  }
0x54: {  	_ =	shalt  }
0x55: {  	_ =	shalt  }
0x56: {  	_ =	shalt  }
0x57: {  	_ =	shalt  }
0x58: {  	_ =	shalt  }
0x59: {  	_ =	shalt  }
0x5a: {  	_ =	shalt  }
0x5b: {  	_ =	shalt  }
0x5c: {  	_ =	shalt  }
0x5d: {  	_ =	shalt  }
0x5e: {  	_ =	shalt  }
0x5f: {  	_ =	shalt  }
0x60: {  	_ =	shalt  }
0x61: {  	_ =	shalt  }
0x62: {  	_ =	shalt  }
0x63: {  	_ =	shalt  }
0x64: {  	_ =	shalt  }
0x65: {  	_ =	shalt  }
0x66: {  	_ =	shalt  }
0x67: {  	_ =	shalt  }
0x68: {  	_ =	shalt  }
0x69: {  	_ =	shalt  }
0x6a: {  	_ =	shalt  }
0x6b: {  	_ =	shalt  }
0x6c: {  	_ =	shalt  }
0x6d: {  	_ =	shalt  }
0x6e: {  	_ =	shalt  }
0x6f: {  	_ =	shalt  }
0x70: {  	_ =	shalt  }
0x71: {  	_ =	shalt  }
0x72: {  	_ =	shalt  }
0x73: {  	_ =	shalt  }
0x74: {  	_ =	shalt  }
0x75: {  	_ =	shalt  }
0x76: {  	_ =	shalt  }
0x77: {  	_ =	shalt  }
0x78: {  	_ =	shalt  }
0x79: {  	_ =	shalt  }
0x7a: {  	_ =	shalt  }
0x7b: {  	_ =	shalt  }
0x7c: {  	_ =	shalt  }
0x7d: {  	_ =	shalt  }
0x7e: {  	_ =	shalt  }
0x7f: {  	_ =	shalt  }
0x80: {  	_ =	shalt  }
0x81: {  	_ =	shalt  }
0x82: {  	_ =	shalt  }
0x83: {  	_ =	shalt  }
0x84: {  	_ =	shalt  }
0x85: {  	_ =	shalt  }
0x86: {  	_ =	shalt  }
0x87: {  	_ =	shalt  }
.Lfunc_end0:
.L_simem_size_0:
called_computation_lowered:
.L_overlay_start_0:
0x88: {  	s2 =	sld [smem:$0x3FD9]  }
0x89: {  	s3 =	sld [smem:$0x3FFE];
	_ =	sdelay $0x1  }
0x8a: {  	s1 =	srdreg.scid  }
0x8b: {  	s0 =	sand.u32 $0x1, s1  }
0x8c: {  	s14 =	sshll.u32 s0, $0xA;
	s2 =	sadd.s32 s3, s2  }
0x8d: {  	s2 =	sadd.s32 s2, s14  }
0x8e: {  	[smem:$0x3FB9] =	sst s2  }
0x8f: {  	_ = 	snop  }
0x90: {  	s2 =	sld [smem:$0x3FD0];
	_ =	sdelay $0x2  }
0x91: {  	s15 =	simm.s32 $0xA;
	s4 =	simm.s32 $0x10  }
0x92: {  	[smem:s4], [sflag:s15] =	dma.local [hbm:s2], $0x1  }
0x93: {  	_ =	swait.eq [sflag:s15], $0x1  }
0x94: {  	[sflag:s15] =	ssyncset.done $0x0  }
0x95: {  	s16 =	sld [smem:$0x10];
	[sflag:s15] =	ssyncadd.s32 $0xFFFFFFFF  }
0x96: {  	s17 =	sld [smem:$0x11];
	(tm) =	ssettm $0x1  }
0x97: {  	s18 =	sld [smem:$0x3FFB];
	_ =	sdelay $0x3  }
0x98: {  	_ =	strace s18  }
0x99: {  	s4 =	sld [smem:$0x3FFC];
	_ =	sdelay $0x3  }
0x9a: {  	_ =	strace s4  }
0x9b: {  	s4 =	sld [smem:$0x3FFD];
	_ =	sdelay $0x3  }
0x9c: {  	_ =	strace s4  }
0x9d: {  	_ =	strace $0x8FFFFFFF  }
0x9e: {  	s19 =	sld [smem:$0x3FDB];
	_ =	sdelay $0x1  }
0x9f: {  	s5 =	simm.s32 $_scs_section_size  }
0xa0: {  	s6 =	simm.s32 $_size__tile_overlayer_lowered;
	s7 =	simm.s32 $_tile_overlayer_lowered  }
0xa1: {  	s22 =	simm.s32 $0x1BFF;
	s21 =	sshll.u32 s7, $0x1;
	s4 =	sadd.s32 s5, s19  }
0xa2: {  	s8 =	simm.s32 $0x0;
	s20 =	sshll.u32 s6, $0x1;
	s6 =	sadd.s32 s21, s4  }
0xa3: {  	[timem:s8], [sflag:s22] =	dma.local [hbm:s6], s20  }
0xa4: {  	_ =	swait.ge [sflag:s22], s20  }
0xa5: {  	s5 =	ssub.s32 $0x0, s20;
	[sflag:s22] =	ssyncset.done $0x0  }
0xa6: {  	[sflag:s22] =	ssyncadd.s32 s5;
	_ =	sdelay $0x1  }
0xa7: {  	s23 =	simm.s32 $0x1B8B  }
0xa8: {  	_ =	swait.ge [sflag:s23], $0x1  }
0xa9: {  	[sflag:s23] =	ssyncset.done $0x0  }
0xaa: {  	s25 =	simm.s32 $0x1B8E;
	s24 =	sld [smem:$0x3FFE];
	[sflag:s23] =	ssyncadd.s32 $0xFFFFFFFF  }
0xab: {  	s26 =	simm.s32 $execute0_lowered;
	[smem:$0x3FD2] =	sst s25  }
0xac: {  	s6 =	sshll.u32 s26, $0x1;
	_ =	strace $0x80000046;
	[dreg:$0x1] =	wrdreg $0xFFFFFFFF  }
0xad: {  	s28 =	simm.s32 $_size_execute0_lowered;
	s4 =	sadd.s32 s4, s6;
	[dreg:$0x0] =	wrdreg $0x0  }
0xae: {  	s6 =	sshll.u32 s28, $0x1;
	[dreg:$0x2] =	wrdreg s4  }
0xaf: {  	[dreg:$0x3] =	wrdreg s6  }
0xb0: {  	[dreg:$0x4] =	wrdreg $0xC0  }
0xb1: {  	_ =	task [dreg:s8], $0x5FFFF  }
0xb2: {  	[dreg:$0x1] =	wrdreg $0xFFFFFFFF  }
0xb3: {  	[dreg:$0x0] =	wrdreg $0x60  }
0xb4: {  	[dreg:$0x2] =	wrdreg s24  }
0xb5: {  	[dreg:$0x3] =	wrdreg s17  }
0xb6: {  	[dreg:$0x4] =	wrdreg s16  }
0xb7: {  	[dreg:$0x5] =	wrdreg $0x9  }
0xb8: {  	_ =	task.clear_ibuf [dreg:s8], $0x6FFFF;
	_ =	strace $0x90000046  }
0xb9: {  	s29 =	simm.s32 $0x9;
	_ =	strace $0x80000048  }
0xba: {  	_ =	swait.ge [sflag:s29], $0x1  }
0xbb: {  	[sflag:s29] =	ssyncadd.s32 $0xFFFFFFFF  }
0xbc: {  	_ =	strace $0x90000048  }
0xbd: {  	_ =	sfence  }
0xbe: {  	s30 =	sld [smem:$0x0];
	_ =	sdelay $0x2  }
0xbf: {  	s31 =	sshll.u32 s1, $0xD;
	s1 =	sshrl.u32 s1, $0x2  }
0xc0: {  	s3 =	sand.u32 $0x4000, s31;
	s1 =	sadd.s32 s1, s30  }
0xc1: {  	s0 =	sor.u32 s3, s0;
	s1 =	sshll.u32 s1, $0x11  }
0xc2: {  	s0 =	sor.u32 s1, s0  }
0xc3: {  	s0 =	sadd.s32 $0x8F2B, s0  }
0xc4: {  	[sflag:s0] =	ssyncadd.remote.s32 $0x1  }
0xc5: {  	_ =	sfence.sel $0xFFFF  }
0xc6: {  	[dreg:$0x0] =	wrdreg $0xFFFFFFFF;
	(pc) =	sbr.abs _section_cstart, $3  }
0xc7: {  	[dreg:$0x1] =	wrdreg $0xFFFFFFFF  }
0xc8: {  	_ =	task.clear_ibuf [dreg:s8], $0x2FFFF;
	_ =	strace $0x9FFFFFFF  }
0xc9: {  	(tm) =	ssettm $0x7FFFFFFF  }
tec
execute0_lowered:
.L_overlay_start_1:
0x0: {  	(tag) =	ssettag $0x1  }
0x1: {  	s4 =	rddreg [dreg:$0x0]  }
0x2: {  	s1 =	rddreg [dreg:$0x1]  }
0x3: {  	s5 =	rddreg [dreg:$0x2];
	s2 =	simm.s32 $0x0  }
0x4: {  	[smem:$0x7FF] =	sst s2  }
0x5: {  	s0 =	rddreg [dreg:$0x3];
	v0 =	vimm.f32 $1.875000000e-01;
	_ =	strace $0x80000047  }
0x6: {  	(erf) = vrcp.f32 v0;
	_ =	sdelay $0x2  }
0x7: {  	s6 =	srdreg.scid  }
0x8: {  	s3 =	stileid.u32;
	s9 =	simm.s32 $0x10000;
	s6 =	sand.u32 $0x1, s6  }
0x9: {  	s7 =	sshll.u32 s3, $0xE;
	s8 =	sshll.u32 s6, $0xD;
	s6 =	ssub.s32 $0x2, s6  }
0xa: {  	s10 =	simm.s32 $0x0;
	s7 =	sor.u32 s8, s7;
	s31 =	sshrl.u32 s6, $0x1  }
0xb: {  	s8 =	sshrl.u32 s7, $0x1;
	s6 =	ssub.s32 s6, s31;
	s7 =	sshrl.u32 s7, $0x3  }
0xc: {  	s4 =	sadd.s32 s8, s4;
	s5 =	sadd.s32 s5, s7;
	s6 =	smax.u32 s6, $0x1  }
0xd: {  	s7 =	simm.s32 $0x1;
	s8 =	simm.s32 $0x8000;
	s4 =	sadd.s32 $0x2400, s4;
	v0 =	vpop (erf)  }
.LBB2_1:
0xe: {  	[tilespmem:s2], [sflag:$0x1] =	stream.linear.gather [hbm4b:s4+s2], $0x8000, $0x38;
	[tilespmem:$0x12000] =	vst v63  }
0xf: {  	_ =	swait.ge [sflag:s7], $0x8000  }
0x10: {  	[sflag:s7] =	ssyncset.done $0x0  }
0x11: {  	[sflag:s7] =	ssyncadd.s32 $0xFFFF8000  }
0x12: {  	[tilespmem:s8], [sflag:$0x1] =	stream.linear.gather [hbm4b:s1+s2], $0x8000, $0x38;
	[tilespmem:$0x12000] =	vst v63  }
0x13: {  	s11 =	sand.u32 $0x70, s2;
	s12 =	sand.u32 $0x7E00, s2;
	_ =	swait.ge [sflag:s7], $0x8000  }
0x14: {  	s13 =	simm.s32 $0x0;
	s14 =	sor.u32 s11, s12;
	[sflag:s7] =	ssyncset.done $0x0  }
0x15: {  	s12 =	simm.s32 $0x10;
	s11 =	simm.s32 $0x0;
	[sflag:s7] =	ssyncadd.s32 $0xFFFF8000  }
.LBB2_2:
0x16: {  	p0 =	sne.s32 s12, $0x1FF0;
	v1 =	vld [tilespmem:s14+$0x100]  }
0x17: {  	v2 =	vld [tilespmem:s14+$0x80]  }
0x18: {  	v3 =	vld [tilespmem:s14+$0x0];
	_ =	sdelay $0x3  }
0x19: {  	v1 =	vadd.f32 $3.000000000e+00, v1;
	v2 =	vadd.f32 $3.000000000e+00, v2  }
0x1a: {  	v3 =	vadd.f32 $3.000000000e+00, v3  }
0x1b: {  	v1 =	vmul.f32 v1, v0;
	v2 =	vmul.f32 v2, v0  }
0x1c: {  	v3 =	vmul.f32 v3, v0  }
0x1d: {  	v1 =	vtrunc.f32 v1;
	v2 =	vtrunc.f32 v2  }
0x1e: {  	v3 =	vtrunc.f32 v3;
	v2 =	vcvt.f32.s32 v2  }
0x1f: {  	v1 =	vcvt.f32.s32 v1;
	v3 =	vcvt.f32.s32 v3  }
0x20: {  	vm0 =	vgt.s32 v2, $0x0  }
0x21: {  	vm1 =	vgt.s32 v3, $0x0;
	v2 =	vnsel vm0, $0x0, v2;
	vm0 =	vgt.s32 v1, $0x0  }
0x22: {  	v3 =	vnsel vm1, $0x0, v3;
	v2 =	vmin.u32 v2, $0x1F;
	v1 =	vnsel vm0, $0x0, v1  }
0x23: {  	v3 =	vmin.u32 v3, $0x1F;
	v2 =	vshll.u32 v2, $0x5;
	v1 =	vmin.u32 v1, $0x1F  }
0x24: {  	v3 =	vshll.u32 v3, $0xA;
	v4 =	vand.u32 $0x380, v2;
	v2 =	vand.u32 $0x60, v2  }
0x25: {  	v3 =	vor.u32 v3, v4;
	v1 =	vor.u32 v2, v1  }
0x26: {  	v1 =	vor.u32 v1, v3;
	_ =	sdelay $0x4  }
0x27: {  	v1 =	vld.idx.msk [tilespmem:v1+s8+$0x0], $0xffff;
	_ =	sdelay $0x1  }
.Ltmp0:
0x28: {  	(pc) =	sbr.rel @p0 .LBB2_2-.Ltmp0, $4  }
0x29: {  	_ = 	snop  }
0x2a: {  	s13 =	sadd.s32 $0x40, s13  }
0x2b: {  	s11 =	sshra.s32 s11, $0x2;
	s15 =	sand.u32 $0x7E00, s13;
	s14 =	sand.u32 $0x70, s12  }
0x2c: {  	s12 =	sadd.s32 $0x10, s12;
	s14 =	sor.u32 s14, s15;
	[tilespmem:s11+$0x10000] =	vst v1;
	s11 =	smov.u32 s13  }
0x2d: {  	v1 =	vld [tilespmem:s14+$0x100]  }
0x2e: {  	v2 =	vld [tilespmem:s14+$0x80]  }
0x2f: {  	v3 =	vld [tilespmem:s14+$0x0];
	_ =	sdelay $0x3  }
0x30: {  	v2 =	vadd.f32 $3.000000000e+00, v2;
	v1 =	vadd.f32 $3.000000000e+00, v1  }
0x31: {  	v3 =	vadd.f32 $3.000000000e+00, v3  }
0x32: {  	v2 =	vmul.f32 v2, v0;
	v1 =	vmul.f32 v1, v0  }
0x33: {  	v3 =	vmul.f32 v3, v0  }
0x34: {  	v2 =	vtrunc.f32 v2;
	v1 =	vtrunc.f32 v1  }
0x35: {  	v3 =	vtrunc.f32 v3;
	v2 =	vcvt.f32.s32 v2  }
0x36: {  	v3 =	vcvt.f32.s32 v3;
	v1 =	vcvt.f32.s32 v1  }
0x37: {  	vm0 =	vgt.s32 v2, $0x0  }
0x38: {  	vm1 =	vgt.s32 v3, $0x0;
	vm15 =	vgt.s32 v1, $0x0;
	v2 =	vnsel vm0, $0x0, v2  }
0x39: {  	v3 =	vnsel vm1, $0x0, v3;
	v1 =	vnsel vm15, $0x0, v1;
	v2 =	vmin.u32 v2, $0x1F  }
0x3a: {  	v3 =	vmin.u32 v3, $0x1F;
	v1 =	vmin.u32 v1, $0x1F;
	v2 =	vshll.u32 v2, $0x5  }
0x3b: {  	v3 =	vshll.u32 v3, $0xA;
	v4 =	vand.u32 $0x380, v2;
	v2 =	vand.u32 $0x60, v2  }
0x3c: {  	v3 =	vor.u32 v3, v4;
	v1 =	vor.u32 v2, v1  }
0x3d: {  	v1 =	vor.u32 v1, v3;
	_ =	sdelay $0x4  }
0x3e: {  	v1 =	vld.idx.msk [tilespmem:v1+s8+$0x0], $0xffff;
	_ =	sdelay $0x2  }
0x3f: {  	s10 =	sadd.s32 $0x1, s10  }
0x40: {  	s11 =	sshra.s32 s11, $0x2;
	p0 =	sne.s32 s10, s6  }
.Ltmp1:
0x41: {  	[tilespmem:s11+$0x10000] =	vst v1;
	(pc) =	sbr.rel @p0 .LBB2_1-.Ltmp1, $4  }
0x42: {  	[hbm4b:s5+s2] =	stream.linear.scatter [tilespmem:s9], [sflag:$0x1], $0x2000, $0x38;
	[tilespmem:$0x12000] =	vst v63  }
0x43: {  	_ =	swait.ge [sflag:s7], $0x2000  }
0x44: {  	[sflag:s7] =	ssyncset.done $0x0  }
0x45: {  	[sflag:s7] =	ssyncadd.s32 $0xFFFFE000  }
0x46: {  	_ =	sfence.sel $0x180000  }
0x47: {  	[bflag:$0x0] =	sbarrier.arrive $0xFFFF  }
0x48: {  	p0 =	sne.s32 s3, $0x0;
	_ =	strace $0x90000047  }
0x49: {  	s0 =	sadd.s32 @!p0 $0x100000, s0;
	[bflag:$0x2] =	sbarrier.arrive $0xFFFF  }
0x4a: {  	[sflag:s0] =	ssyncadd.tile.s32 @!p0 $0x1;
	_ =	shalt  }
.Lfunc_end2:
_tile_overlayer_lowered:
.L_overlay_start_2:
0x4b: {  	(tag) =	ssettag $0x2  }
0x4c: {  	s0 =	rddreg [dreg:$0x0];
	s2 =	stileid.u32  }
0x4d: {  	s1 =	rddreg [dreg:$0x1];
	p0 =	sne.s32 s2, $0x0  }
0x4e: {  	s3 =	rddreg [dreg:$0x2];
	[bflag:$0x3] =	sbarrier.arrive $0xFFFF;
	s2 =	simm.s32 @!p0 $0x1C01  }
0x4f: {  	[timem:s3], [sflag:s2] =	dma.local @!p0 [hbm:s0], s1  }
0x50: {  	s0 =	simm.s32 @!p0 $0x1  }
0x51: {  	_ =	swait.ge @!p0 [sflag:s0], s1  }
0x52: {  	s1 =	ssub.s32 @!p0 $0x0, s1;
	[sflag:s0] =	ssyncset.done @!p0 $0x0  }
0x53: {  	[sflag:s0] =	ssyncadd.s32 @!p0 s1  }
0x54: {  	[bflag:$0x3] =	sbarrier.arrive $0xFFFF  }
0x55: {  	_ =	shalt  }

</sc_bundles>
